<compile_context>
chip_gen: v7x
topology: tpu7x:2x2x1
jax: 0.10.2.dev20260603
libtpu: 0.0.44.dev20260713+nightly
codegen_flags: <defaults>
</compile_context>

<pallas_src>
import functools

import jax
import jax.numpy as jnp
from jax import lax
from jax.experimental import pallas as pl
from jax.experimental.pallas import tpu as pltpu
from jax.experimental.pallas import tpu_sc as plsc

VOCAB = 100000
EMBED = 128
HIDDEN = 1024
BATCH = 4096
SEQ = 200

NUM_CORES = 2
NUM_SUBCORES = 16
NW = NUM_CORES * NUM_SUBCORES
BPW = BATCH // NW
LANES = 16
WINDOW = 8


def _sc_pool_body(xT_hbm, table_hbm, out_hbm, idx_v, acc_v, isem, gsemA, gsemB):
    wid = lax.axis_index("s") * NUM_CORES + lax.axis_index("c")
    base = wid * BPW

    idx_copy = pltpu.async_copy(xT_hbm.at[:, pl.ds(base, BPW)], idx_v, isem)

    zeros = jnp.zeros((LANES,), jnp.float32)

    def zero_row(r2, _):
        a = r2 // BPW
        r = r2 - a * BPW
        for j in range(EMBED // LANES):
            acc_v[a, r, pl.ds(j * LANES, LANES)] = zeros
        return _

    lax.fori_loop(0, 2 * BPW, zero_row, None)
    idx_copy.wait()

    def gather_t(t2, _):
        pltpu.async_copy(table_hbm.at[idx_v.at[2 * t2]], acc_v.at[0], gsemA,
                         add=True)
        pltpu.async_copy(table_hbm.at[idx_v.at[2 * t2 + 1]], acc_v.at[1],
                         gsemB, add=True)

        @pl.when(t2 >= WINDOW // 2)
        def _wait_one():
            pltpu.make_async_copy(table_hbm.at[idx_v.at[0]], acc_v.at[0],
                                  gsemA).wait()
            pltpu.make_async_copy(table_hbm.at[idx_v.at[0]], acc_v.at[1],
                                  gsemB).wait()

        return _

    lax.fori_loop(0, SEQ // 2, gather_t, None)
    for _ in range(WINDOW // 2):
        pltpu.make_async_copy(table_hbm.at[idx_v.at[0]], acc_v.at[0],
                              gsemA).wait()
        pltpu.make_async_copy(table_hbm.at[idx_v.at[0]], acc_v.at[1],
                              gsemB).wait()

    for a in range(2):
        pltpu.sync_copy(acc_v.at[a], out_hbm.at[a, pl.ds(base, BPW)])


@jax.jit
def _sc_pool(xT, table):
    mesh = plsc.VectorSubcoreMesh(
        core_axis_name="c", subcore_axis_name="s",
        num_cores=NUM_CORES, num_subcores=NUM_SUBCORES)
    return pl.kernel(
        _sc_pool_body,
        out_type=jax.ShapeDtypeStruct((2, BATCH, EMBED), jnp.float32),
        mesh=mesh,
        scratch_types=[
            pltpu.VMEM((SEQ, BPW), jnp.int32),
            pltpu.VMEM((2, BPW, EMBED), jnp.float32),
            pltpu.SemaphoreType.DMA,
            pltpu.SemaphoreType.DMA,
            pltpu.SemaphoreType.DMA,
        ],
    )(xT, table)


BM = 512


def _mlp_body(ps_ref, W1_ref, b1_ref, w2_ref, b2_ref, out_ref):
    ps = jnp.sum(ps_ref[...], axis=0) * (1.0 / SEQ)
    h = jnp.dot(ps, W1_ref[...], preferred_element_type=jnp.float32)
    h = jnp.maximum(h + b1_ref[...], 0.0)
    out_ref[...] = jnp.sum(h * w2_ref[...], axis=1, keepdims=True) + b2_ref[0, 0]


@jax.jit
def _tc_mlp(pooled, W1, b1r, w2r, b2r):
    return pl.pallas_call(
        _mlp_body,
        grid=(BATCH // BM,),
        in_specs=[
            pl.BlockSpec((2, BM, EMBED), lambda i: (0, i, 0)),
            pl.BlockSpec((EMBED, HIDDEN), lambda i: (0, 0)),
            pl.BlockSpec((1, HIDDEN), lambda i: (0, 0)),
            pl.BlockSpec((1, HIDDEN), lambda i: (0, 0)),
            pl.BlockSpec((1, 1), lambda i: (0, 0)),
        ],
        out_specs=pl.BlockSpec((BM, 1), lambda i: (i, 0)),
        out_shape=jax.ShapeDtypeStruct((BATCH, 1), jnp.float32),
    )(pooled, W1, b1r, w2r, b2r)


def kernel(x, table, W1, b1, W2, b2):
    xT = jnp.transpose(x).astype(jnp.int32)
    pooled = _sc_pool(xT, table)
    return _tc_mlp(pooled, W1, b1.reshape(1, HIDDEN),
                   W2.reshape(1, HIDDEN), b2.reshape(1, 1))

# --- scband reference (transcript-rebuilt; emitter-appended) ---
"""Pipeline reference for scband-text-classifier-14388140442098 (READ-ONLY COPY).

The authoritative reference and input builder live on the scoring server;
editing this copy changes nothing except your own understanding.
"""

import jax, jax.numpy as jnp
import numpy as np

VOCAB = 100000
EMBED = 128
HIDDEN = 1024
BATCH = 4096
SEQ = 200

def setup_inputs(seed: int = 0) -> dict:
    key = jax.random.key(seed)
    k1, k2, k3, k4 = jax.random.split(key, 4)
    x = jax.random.randint(k1, (BATCH, SEQ), 0, VOCAB, dtype=jnp.int64 if jax.config.jax_enable_x64 else jnp.int32)
    table = jax.random.normal(k2, (VOCAB, EMBED), dtype=jnp.float32) * 0.02
    W1 = jax.random.normal(k3, (EMBED, HIDDEN), dtype=jnp.float32) * (1.0 / np.sqrt(EMBED))
    b1 = jnp.zeros((HIDDEN,), dtype=jnp.float32)
    W2 = jax.random.normal(k4, (HIDDEN, 1), dtype=jnp.float32) * (1.0 / np.sqrt(HIDDEN))
    b2 = jnp.zeros((1,), dtype=jnp.float32)
    return {"x": x, "table": table, "W1": W1, "b1": b1, "W2": W2, "b2": b2}

def reference(x, table, W1, b1, W2, b2):
    # nn.Embedding lookup -> gather rows
    emb = jnp.take(table, x, axis=0)            # [B, S, E]
    h = jnp.mean(emb, axis=1)                    # [B, E]
    h = h @ W1 + b1                              # fc1
    h = jax.nn.relu(h)
    out = h @ W2 + b2                            # fc2 -> [B, 1]
    return out

if __name__ == "__main__":
    import jax
    _d = setup_inputs()
    print(jax.jit(kernel)(*tuple(_d.values())))

</pallas_src>

<mosaic_0001>
#map = affine_map<(d0, d1) -> (0, 0)>
#map1 = affine_map<(d0, d1) -> (0, 0, 0)>
module attributes {stable_mosaic.version = 14 : i64} {
  func.func @_sc_pool_body(%arg0: i32, %arg1: i32, %arg2: memref<200x4096xi32, #tpu.memory_space<hbm>>, %arg3: memref<100000x128xf32, #tpu.memory_space<hbm>>, %arg4: memref<2x4096x128xf32, #tpu.memory_space<hbm>>, %arg5: memref<200x128xi32, #tpu.memory_space<vmem>>, %arg6: memref<2x128x128xf32, #tpu.memory_space<vmem>>, %arg7: memref<!tpu.dma_semaphore, #tpu.memory_space<semaphore_mem>>, %arg8: memref<!tpu.dma_semaphore, #tpu.memory_space<semaphore_mem>>, %arg9: memref<!tpu.dma_semaphore, #tpu.memory_space<semaphore_mem>>) attributes {dimension_semantics = [#tpu.dimension_semantics<core_parallel>, #tpu.dimension_semantics<subcore_parallel>], iteration_bounds = array<i64: 2, 16>, scalar_prefetch = 0 : i64, scratch_operands = 5 : i64, tpu.core_type = #tpu.core_type<sc_vector_subcore>, window_params = [{transform_indices = #map}, {transform_indices = #map}, {transform_indices = #map1}]} {
    %mul3A = arith.constant 2 : i32
    %mul3A_0 = arith.muli %arg1, %mul3A : i32
    %add3A = arith.addi %mul3A_0, %arg0 : i32
    %mul3A_1 = arith.constant 128 : i32
    %mul3A_2 = arith.muli %add3A, %mul3A_1 : i32
    %dma_start3A = arith.constant 0 : i32
    %dma_start3A_3 = tpu.memref_slice %arg2[%dma_start3A, %mul3A_2] : memref<200x4096xi32, #tpu.memory_space<hbm>> -> memref<200x128xi32, #tpu.memory_space<hbm>>
    %dma_start3A_4 = arith.constant 0 : i32
    %dma_start3A_5 = tpu.memref_slice %arg2[%dma_start3A_4, %mul3A_2] : memref<200x4096xi32, #tpu.memory_space<hbm>> -> memref<200x128xi32, #tpu.memory_space<hbm>>
    tpu.enqueue_dma source(%dma_start3A_5 : memref<200x128xi32, #tpu.memory_space<hbm>>) target(%arg5 : memref<200x128xi32, #tpu.memory_space<vmem>>) target_semaphore(%arg7 : memref<!tpu.dma_semaphore, #tpu.memory_space<semaphore_mem>>)
    %broadcast_in_dim3A = arith.constant 0.000000e+00 : f32
    %broadcast_in_dim3A_6 = vector.broadcast %broadcast_in_dim3A : f32 to vector<16xf32>
    %scan3A = arith.constant 0 : i32
    %scan3A_7 = arith.constant 256 : i32
    %scan3A_8 = arith.addi %scan3A, %scan3A_7 : i32
    %scan3A_9 = arith.constant 1 : i32
    scf.for %scan3A_118 = %scan3A to %scan3A_8 step %scan3A_9  : i32 {
      %jit3A = arith.constant 128 : i32
      %div3A = arith.divsi %scan3A_118, %jit3A : i32
      %sign3A = arith.constant 0 : i32
      %sign3A_119 = arith.cmpi sgt, %scan3A_118, %sign3A : i32
      %sign3A_120 = arith.extui %sign3A_119 : i1 to i32
      %sign3A_121 = arith.constant 0 : i32
      %sign3A_122 = arith.cmpi slt, %scan3A_118, %sign3A_121 : i32
      %sign3A_123 = arith.extui %sign3A_122 : i1 to i32
      %sign3A_124 = arith.subi %sign3A_120, %sign3A_123 : i32
      %sign3A_125 = arith.constant 0 : i32
      %sign3A_126 = arith.cmpi sgt, %jit3A, %sign3A_125 : i32
      %sign3A_127 = arith.extui %sign3A_126 : i1 to i32
      %sign3A_128 = arith.constant 0 : i32
      %sign3A_129 = arith.cmpi slt, %jit3A, %sign3A_128 : i32
      %sign3A_130 = arith.extui %sign3A_129 : i1 to i32
      %sign3A_131 = arith.subi %sign3A_127, %sign3A_130 : i32
      %ne3A = arith.cmpi ne, %sign3A_124, %sign3A_131 : i32
      %rem3A = arith.remsi %scan3A_118, %jit3A : i32
      %ne3A_132 = arith.constant 0 : i32
      %ne3A_133 = arith.cmpi ne, %rem3A, %ne3A_132 : i32
      %and3A = arith.andi %ne3A, %ne3A_133 : i1
      %sub3A = arith.constant 1 : i32
      %sub3A_134 = arith.subi %div3A, %sub3A : i32
      %select_n3A = arith.select %and3A, %sub3A_134, %div3A : i32
      %mul3A_135 = arith.constant 128 : i32
      %mul3A_136 = arith.muli %select_n3A, %mul3A_135 : i32
      %sub3A_137 = arith.subi %scan3A_118, %mul3A_136 : i32
      %swap3A = arith.index_cast %select_n3A : i32 to index
      %swap3A_138 = arith.index_cast %sub3A_137 : i32 to index
      %swap3A_139 = arith.constant 0 : index
      %swap3A_140 = tpu.vector_load %arg6[%swap3A, %swap3A_138, %swap3A_139] {strides = array<i32>} : memref<2x128x128xf32, #tpu.memory_space<vmem>>, vector<1x1x16xf32>,
      %swap3A_141 = vector.shape_cast %swap3A_140 : vector<1x1x16xf32> to vector<16xf32>
      %swap3A_142 = vector.shape_cast %broadcast_in_dim3A_6 : vector<16xf32> to vector<1x1x16xf32>
      tpu.vector_store %arg6[%swap3A, %swap3A_138, %swap3A_139], %swap3A_142 {strides = array<i32>} : memref<2x128x128xf32, #tpu.memory_space<vmem>>, vector<1x1x16xf32>,
      %swap3A_143 = arith.index_cast %select_n3A : i32 to index
      %swap3A_144 = arith.index_cast %sub3A_137 : i32 to index
      %swap3A_145 = arith.constant 16 : index
      %swap3A_146 = tpu.vector_load %arg6[%swap3A_143, %swap3A_144, %swap3A_145] {strides = array<i32>} : memref<2x128x128xf32, #tpu.memory_space<vmem>>, vector<1x1x16xf32>,
      %swap3A_147 = vector.shape_cast %swap3A_146 : vector<1x1x16xf32> to vector<16xf32>
      %swap3A_148 = vector.shape_cast %broadcast_in_dim3A_6 : vector<16xf32> to vector<1x1x16xf32>
      tpu.vector_store %arg6[%swap3A_143, %swap3A_144, %swap3A_145], %swap3A_148 {strides = array<i32>} : memref<2x128x128xf32, #tpu.memory_space<vmem>>, vector<1x1x16xf32>,
      %swap3A_149 = arith.index_cast %select_n3A : i32 to index
      %swap3A_150 = arith.index_cast %sub3A_137 : i32 to index
      %swap3A_151 = arith.constant 32 : index
      %swap3A_152 = tpu.vector_load %arg6[%swap3A_149, %swap3A_150, %swap3A_151] {strides = array<i32>} : memref<2x128x128xf32, #tpu.memory_space<vmem>>, vector<1x1x16xf32>,
      %swap3A_153 = vector.shape_cast %swap3A_152 : vector<1x1x16xf32> to vector<16xf32>
      %swap3A_154 = vector.shape_cast %broadcast_in_dim3A_6 : vector<16xf32> to vector<1x1x16xf32>
      tpu.vector_store %arg6[%swap3A_149, %swap3A_150, %swap3A_151], %swap3A_154 {strides = array<i32>} : memref<2x128x128xf32, #tpu.memory_space<vmem>>, vector<1x1x16xf32>,
      %swap3A_155 = arith.index_cast %select_n3A : i32 to index
      %swap3A_156 = arith.index_cast %sub3A_137 : i32 to index
      %swap3A_157 = arith.constant 48 : index
      %swap3A_158 = tpu.vector_load %arg6[%swap3A_155, %swap3A_156, %swap3A_157] {strides = array<i32>} : memref<2x128x128xf32, #tpu.memory_space<vmem>>, vector<1x1x16xf32>,
      %swap3A_159 = vector.shape_cast %swap3A_158 : vector<1x1x16xf32> to vector<16xf32>
      %swap3A_160 = vector.shape_cast %broadcast_in_dim3A_6 : vector<16xf32> to vector<1x1x16xf32>
      tpu.vector_store %arg6[%swap3A_155, %swap3A_156, %swap3A_157], %swap3A_160 {strides = array<i32>} : memref<2x128x128xf32, #tpu.memory_space<vmem>>, vector<1x1x16xf32>,
      %swap3A_161 = arith.index_cast %select_n3A : i32 to index
      %swap3A_162 = arith.index_cast %sub3A_137 : i32 to index
      %swap3A_163 = arith.constant 64 : index
      %swap3A_164 = tpu.vector_load %arg6[%swap3A_161, %swap3A_162, %swap3A_163] {strides = array<i32>} : memref<2x128x128xf32, #tpu.memory_space<vmem>>, vector<1x1x16xf32>,
      %swap3A_165 = vector.shape_cast %swap3A_164 : vector<1x1x16xf32> to vector<16xf32>
      %swap3A_166 = vector.shape_cast %broadcast_in_dim3A_6 : vector<16xf32> to vector<1x1x16xf32>
      tpu.vector_store %arg6[%swap3A_161, %swap3A_162, %swap3A_163], %swap3A_166 {strides = array<i32>} : memref<2x128x128xf32, #tpu.memory_space<vmem>>, vector<1x1x16xf32>,
      %swap3A_167 = arith.index_cast %select_n3A : i32 to index
      %swap3A_168 = arith.index_cast %sub3A_137 : i32 to index
      %swap3A_169 = arith.constant 80 : index
      %swap3A_170 = tpu.vector_load %arg6[%swap3A_167, %swap3A_168, %swap3A_169] {strides = array<i32>} : memref<2x128x128xf32, #tpu.memory_space<vmem>>, vector<1x1x16xf32>,
      %swap3A_171 = vector.shape_cast %swap3A_170 : vector<1x1x16xf32> to vector<16xf32>
      %swap3A_172 = vector.shape_cast %broadcast_in_dim3A_6 : vector<16xf32> to vector<1x1x16xf32>
      tpu.vector_store %arg6[%swap3A_167, %swap3A_168, %swap3A_169], %swap3A_172 {strides = array<i32>} : memref<2x128x128xf32, #tpu.memory_space<vmem>>, vector<1x1x16xf32>,
      %swap3A_173 = arith.index_cast %select_n3A : i32 to index
      %swap3A_174 = arith.index_cast %sub3A_137 : i32 to index
      %swap3A_175 = arith.constant 96 : index
      %swap3A_176 = tpu.vector_load %arg6[%swap3A_173, %swap3A_174, %swap3A_175] {strides = array<i32>} : memref<2x128x128xf32, #tpu.memory_space<vmem>>, vector<1x1x16xf32>,
      %swap3A_177 = vector.shape_cast %swap3A_176 : vector<1x1x16xf32> to vector<16xf32>
      %swap3A_178 = vector.shape_cast %broadcast_in_dim3A_6 : vector<16xf32> to vector<1x1x16xf32>
      tpu.vector_store %arg6[%swap3A_173, %swap3A_174, %swap3A_175], %swap3A_178 {strides = array<i32>} : memref<2x128x128xf32, #tpu.memory_space<vmem>>, vector<1x1x16xf32>,
      %swap3A_179 = arith.index_cast %select_n3A : i32 to index
      %swap3A_180 = arith.index_cast %sub3A_137 : i32 to index
      %swap3A_181 = arith.constant 112 : index
      %swap3A_182 = tpu.vector_load %arg6[%swap3A_179, %swap3A_180, %swap3A_181] {strides = array<i32>} : memref<2x128x128xf32, #tpu.memory_space<vmem>>, vector<1x1x16xf32>,
      %swap3A_183 = vector.shape_cast %swap3A_182 : vector<1x1x16xf32> to vector<16xf32>
      %swap3A_184 = vector.shape_cast %broadcast_in_dim3A_6 : vector<16xf32> to vector<1x1x16xf32>
      tpu.vector_store %arg6[%swap3A_179, %swap3A_180, %swap3A_181], %swap3A_184 {strides = array<i32>} : memref<2x128x128xf32, #tpu.memory_space<vmem>>, vector<1x1x16xf32>,
    }
    %scan3A_10 = arith.constant 256 : i32
    %dma_wait3A = arith.constant 0 : i32
    %dma_wait3A_11 = tpu.memref_slice %arg2[%dma_wait3A, %mul3A_2] : memref<200x4096xi32, #tpu.memory_space<hbm>> -> memref<200x128xi32, #tpu.memory_space<hbm>>
    %dma_wait3A_12 = arith.constant 0 : i32
    %dma_wait3A_13 = tpu.memref_slice %arg2[%dma_wait3A_12, %mul3A_2] : memref<200x4096xi32, #tpu.memory_space<hbm>> -> memref<200x128xi32, #tpu.memory_space<hbm>>
    tpu.wait_dma2 semaphore(%arg7 : memref<!tpu.dma_semaphore, #tpu.memory_space<semaphore_mem>>) src(%dma_wait3A_13 : memref<200x128xi32, #tpu.memory_space<hbm>>) dst(%arg5 : memref<200x128xi32, #tpu.memory_space<vmem>>)
    %scan3A_14 = arith.constant 0 : i32
    %scan3A_15 = arith.constant 100 : i32
    %scan3A_16 = arith.addi %scan3A_14, %scan3A_15 : i32
    %scan3A_17 = arith.constant 1 : i32
    scf.for %scan3A_118 = %scan3A_14 to %scan3A_16 step %scan3A_17  : i32 {
      %mul3A_119 = arith.constant 2 : i32
      %mul3A_120 = arith.muli %mul3A_119, %scan3A_118 : i32
      %dma_start3A_121 = arith.constant 0 : i32
      %dma_start3A_122 = arith.constant 0 : i32
      %dma_start3A_123 = arith.constant 0 : i32
      %dma_start3A_124 = tpu.memref_slice %arg6[%dma_start3A_121, %dma_start3A_122, %dma_start3A_123] : memref<2x128x128xf32, #tpu.memory_space<vmem>> -> memref<1x128x128xf32, #tpu.memory_space<vmem>>
      %dma_start3A_125 = tpu.memref_squeeze %dma_start3A_124 : memref<1x128x128xf32, #tpu.memory_space<vmem>> -> memref<128x128xf32, #tpu.memory_space<vmem>>
      %dma_start3A_126 = arith.constant 0 : i32
      %dma_start3A_127 = tpu.memref_slice %arg5[%mul3A_120, %dma_start3A_126] : memref<200x128xi32, #tpu.memory_space<vmem>> -> memref<1x128xi32, #tpu.memory_space<vmem>>
      %dma_start3A_128 = tpu.memref_squeeze %dma_start3A_127 : memref<1x128xi32, #tpu.memory_space<vmem>> -> memref<128xi32, #tpu.memory_space<vmem>>
      %dma_start3A_129 = arith.constant 0 : i32
      %dma_start3A_130 = arith.constant 0 : i32
      %dma_start3A_131 = tpu.memref_slice %arg3[%dma_start3A_129, %dma_start3A_130] : memref<100000x128xf32, #tpu.memory_space<hbm>> -> memref<100000x128xf32, #tpu.memory_space<hbm>>
      tpu.enqueue_indirect_dma source(%dma_start3A_131 : memref<100000x128xf32, #tpu.memory_space<hbm>>) target(%dma_start3A_125 : memref<128x128xf32, #tpu.memory_space<vmem>>) offsets(%dma_start3A_128 : memref<128xi32, #tpu.memory_space<vmem>>) semaphore(%arg8 : memref<!tpu.dma_semaphore, #tpu.memory_space<semaphore_mem>>) {add = true}
      %mul3A_132 = arith.constant 2 : i32
      %mul3A_133 = arith.muli %mul3A_132, %scan3A_118 : i32
      %add3A_134 = arith.constant 1 : i32
      %add3A_135 = arith.addi %mul3A_133, %add3A_134 : i32
      %dma_start3A_136 = arith.constant 1 : i32
      %dma_start3A_137 = arith.constant 0 : i32
      %dma_start3A_138 = arith.constant 0 : i32
      %dma_start3A_139 = tpu.memref_slice %arg6[%dma_start3A_136, %dma_start3A_137, %dma_start3A_138] : memref<2x128x128xf32, #tpu.memory_space<vmem>> -> memref<1x128x128xf32, #tpu.memory_space<vmem>>
      %dma_start3A_140 = tpu.memref_squeeze %dma_start3A_139 : memref<1x128x128xf32, #tpu.memory_space<vmem>> -> memref<128x128xf32, #tpu.memory_space<vmem>>
      %dma_start3A_141 = arith.constant 0 : i32
      %dma_start3A_142 = tpu.memref_slice %arg5[%add3A_135, %dma_start3A_141] : memref<200x128xi32, #tpu.memory_space<vmem>> -> memref<1x128xi32, #tpu.memory_space<vmem>>
      %dma_start3A_143 = tpu.memref_squeeze %dma_start3A_142 : memref<1x128xi32, #tpu.memory_space<vmem>> -> memref<128xi32, #tpu.memory_space<vmem>>
      %dma_start3A_144 = arith.constant 0 : i32
      %dma_start3A_145 = arith.constant 0 : i32
      %dma_start3A_146 = tpu.memref_slice %arg3[%dma_start3A_144, %dma_start3A_145] : memref<100000x128xf32, #tpu.memory_space<hbm>> -> memref<100000x128xf32, #tpu.memory_space<hbm>>
      tpu.enqueue_indirect_dma source(%dma_start3A_146 : memref<100000x128xf32, #tpu.memory_space<hbm>>) target(%dma_start3A_140 : memref<128x128xf32, #tpu.memory_space<vmem>>) offsets(%dma_start3A_143 : memref<128xi32, #tpu.memory_space<vmem>>) semaphore(%arg9 : memref<!tpu.dma_semaphore, #tpu.memory_space<semaphore_mem>>) {add = true}
      %ge3A = arith.constant 4 : i32
      %ge3A_147 = arith.cmpi sge, %scan3A_118, %ge3A : i32
      %convert_element_type3A = arith.extui %ge3A_147 : i1 to i32
      %cond3A = arith.constant 0 : i32
      %cond3A_148 = arith.cmpi ne, %convert_element_type3A, %cond3A : i32
      scf.if %cond3A_148 {
        %dma_wait3A_149 = arith.constant 0 : i32
        %dma_wait3A_150 = arith.constant 0 : i32
        %dma_wait3A_151 = arith.constant 0 : i32
        %dma_wait3A_152 = arith.constant 0 : i32
        %dma_wait3A_153 = tpu.memref_slice %arg6[%dma_wait3A_150, %dma_wait3A_151, %dma_wait3A_152] : memref<2x128x128xf32, #tpu.memory_space<vmem>> -> memref<1x128x128xf32, #tpu.memory_space<vmem>>
        %dma_wait3A_154 = tpu.memref_squeeze %dma_wait3A_153 : memref<1x128x128xf32, #tpu.memory_space<vmem>> -> memref<128x128xf32, #tpu.memory_space<vmem>>
        %dma_wait3A_155 = arith.constant 0 : i32
        %dma_wait3A_156 = tpu.memref_slice %arg5[%dma_wait3A_149, %dma_wait3A_155] : memref<200x128xi32, #tpu.memory_space<vmem>> -> memref<1x128xi32, #tpu.memory_space<vmem>>
        %dma_wait3A_157 = tpu.memref_squeeze %dma_wait3A_156 : memref<1x128xi32, #tpu.memory_space<vmem>> -> memref<128xi32, #tpu.memory_space<vmem>>
        %dma_wait3A_158 = arith.constant 0 : i32
        %dma_wait3A_159 = arith.constant 0 : i32
        %dma_wait3A_160 = tpu.memref_slice %arg3[%dma_wait3A_158, %dma_wait3A_159] : memref<100000x128xf32, #tpu.memory_space<hbm>> -> memref<100000x128xf32, #tpu.memory_space<hbm>>
        tpu.wait_indirect_dma semaphore(%arg8 : memref<!tpu.dma_semaphore, #tpu.memory_space<semaphore_mem>>) src(%dma_wait3A_160 : memref<100000x128xf32, #tpu.memory_space<hbm>>) dst(%dma_wait3A_154 : memref<128x128xf32, #tpu.memory_space<vmem>>)
        %dma_wait3A_161 = arith.constant 0 : i32
        %dma_wait3A_162 = arith.constant 1 : i32
        %dma_wait3A_163 = arith.constant 0 : i32
        %dma_wait3A_164 = arith.constant 0 : i32
        %dma_wait3A_165 = tpu.memref_slice %arg6[%dma_wait3A_162, %dma_wait3A_163, %dma_wait3A_164] : memref<2x128x128xf32, #tpu.memory_space<vmem>> -> memref<1x128x128xf32, #tpu.memory_space<vmem>>
        %dma_wait3A_166 = tpu.memref_squeeze %dma_wait3A_165 : memref<1x128x128xf32, #tpu.memory_space<vmem>> -> memref<128x128xf32, #tpu.memory_space<vmem>>
        %dma_wait3A_167 = arith.constant 0 : i32
        %dma_wait3A_168 = tpu.memref_slice %arg5[%dma_wait3A_161, %dma_wait3A_167] : memref<200x128xi32, #tpu.memory_space<vmem>> -> memref<1x128xi32, #tpu.memory_space<vmem>>
        %dma_wait3A_169 = tpu.memref_squeeze %dma_wait3A_168 : memref<1x128xi32, #tpu.memory_space<vmem>> -> memref<128xi32, #tpu.memory_space<vmem>>
        %dma_wait3A_170 = arith.constant 0 : i32
        %dma_wait3A_171 = arith.constant 0 : i32
        %dma_wait3A_172 = tpu.memref_slice %arg3[%dma_wait3A_170, %dma_wait3A_171] : memref<100000x128xf32, #tpu.memory_space<hbm>> -> memref<100000x128xf32, #tpu.memory_space<hbm>>
        tpu.wait_indirect_dma semaphore(%arg9 : memref<!tpu.dma_semaphore, #tpu.memory_space<semaphore_mem>>) src(%dma_wait3A_172 : memref<100000x128xf32, #tpu.memory_space<hbm>>) dst(%dma_wait3A_166 : memref<128x128xf32, #tpu.memory_space<vmem>>)
      } else {
      }
    }
    %scan3A_18 = arith.constant 100 : i32
    %dma_wait3A_19 = arith.constant 0 : i32
    %dma_wait3A_20 = arith.constant 0 : i32
    %dma_wait3A_21 = arith.constant 0 : i32
    %dma_wait3A_22 = arith.constant 0 : i32
    %dma_wait3A_23 = tpu.memref_slice %arg6[%dma_wait3A_20, %dma_wait3A_21, %dma_wait3A_22] : memref<2x128x128xf32, #tpu.memory_space<vmem>> -> memref<1x128x128xf32, #tpu.memory_space<vmem>>
    %dma_wait3A_24 = tpu.memref_squeeze %dma_wait3A_23 : memref<1x128x128xf32, #tpu.memory_space<vmem>> -> memref<128x128xf32, #tpu.memory_space<vmem>>
    %dma_wait3A_25 = arith.constant 0 : i32
    %dma_wait3A_26 = tpu.memref_slice %arg5[%dma_wait3A_19, %dma_wait3A_25] : memref<200x128xi32, #tpu.memory_space<vmem>> -> memref<1x128xi32, #tpu.memory_space<vmem>>
    %dma_wait3A_27 = tpu.memref_squeeze %dma_wait3A_26 : memref<1x128xi32, #tpu.memory_space<vmem>> -> memref<128xi32, #tpu.memory_space<vmem>>
    %dma_wait3A_28 = arith.constant 0 : i32
    %dma_wait3A_29 = arith.constant 0 : i32
    %dma_wait3A_30 = tpu.memref_slice %arg3[%dma_wait3A_28, %dma_wait3A_29] : memref<100000x128xf32, #tpu.memory_space<hbm>> -> memref<100000x128xf32, #tpu.memory_space<hbm>>
    tpu.wait_indirect_dma semaphore(%arg8 : memref<!tpu.dma_semaphore, #tpu.memory_space<semaphore_mem>>) src(%dma_wait3A_30 : memref<100000x128xf32, #tpu.memory_space<hbm>>) dst(%dma_wait3A_24 : memref<128x128xf32, #tpu.memory_space<vmem>>)
    %dma_wait3A_31 = arith.constant 0 : i32
    %dma_wait3A_32 = arith.constant 1 : i32
    %dma_wait3A_33 = arith.constant 0 : i32
    %dma_wait3A_34 = arith.constant 0 : i32
    %dma_wait3A_35 = tpu.memref_slice %arg6[%dma_wait3A_32, %dma_wait3A_33, %dma_wait3A_34] : memref<2x128x128xf32, #tpu.memory_space<vmem>> -> memref<1x128x128xf32, #tpu.memory_space<vmem>>
    %dma_wait3A_36 = tpu.memref_squeeze %dma_wait3A_35 : memref<1x128x128xf32, #tpu.memory_space<vmem>> -> memref<128x128xf32, #tpu.memory_space<vmem>>
    %dma_wait3A_37 = arith.constant 0 : i32
    %dma_wait3A_38 = tpu.memref_slice %arg5[%dma_wait3A_31, %dma_wait3A_37] : memref<200x128xi32, #tpu.memory_space<vmem>> -> memref<1x128xi32, #tpu.memory_space<vmem>>
    %dma_wait3A_39 = tpu.memref_squeeze %dma_wait3A_38 : memref<1x128xi32, #tpu.memory_space<vmem>> -> memref<128xi32, #tpu.memory_space<vmem>>
    %dma_wait3A_40 = arith.constant 0 : i32
    %dma_wait3A_41 = arith.constant 0 : i32
    %dma_wait3A_42 = tpu.memref_slice %arg3[%dma_wait3A_40, %dma_wait3A_41] : memref<100000x128xf32, #tpu.memory_space<hbm>> -> memref<100000x128xf32, #tpu.memory_space<hbm>>
    tpu.wait_indirect_dma semaphore(%arg9 : memref<!tpu.dma_semaphore, #tpu.memory_space<semaphore_mem>>) src(%dma_wait3A_42 : memref<100000x128xf32, #tpu.memory_space<hbm>>) dst(%dma_wait3A_36 : memref<128x128xf32, #tpu.memory_space<vmem>>)
    %dma_wait3A_43 = arith.constant 0 : i32
    %dma_wait3A_44 = arith.constant 0 : i32
    %dma_wait3A_45 = arith.constant 0 : i32
    %dma_wait3A_46 = arith.constant 0 : i32
    %dma_wait3A_47 = tpu.memref_slice %arg6[%dma_wait3A_44, %dma_wait3A_45, %dma_wait3A_46] : memref<2x128x128xf32, #tpu.memory_space<vmem>> -> memref<1x128x128xf32, #tpu.memory_space<vmem>>
    %dma_wait3A_48 = tpu.memref_squeeze %dma_wait3A_47 : memref<1x128x128xf32, #tpu.memory_space<vmem>> -> memref<128x128xf32, #tpu.memory_space<vmem>>
    %dma_wait3A_49 = arith.constant 0 : i32
    %dma_wait3A_50 = tpu.memref_slice %arg5[%dma_wait3A_43, %dma_wait3A_49] : memref<200x128xi32, #tpu.memory_space<vmem>> -> memref<1x128xi32, #tpu.memory_space<vmem>>
    %dma_wait3A_51 = tpu.memref_squeeze %dma_wait3A_50 : memref<1x128xi32, #tpu.memory_space<vmem>> -> memref<128xi32, #tpu.memory_space<vmem>>
    %dma_wait3A_52 = arith.constant 0 : i32
    %dma_wait3A_53 = arith.constant 0 : i32
    %dma_wait3A_54 = tpu.memref_slice %arg3[%dma_wait3A_52, %dma_wait3A_53] : memref<100000x128xf32, #tpu.memory_space<hbm>> -> memref<100000x128xf32, #tpu.memory_space<hbm>>
    tpu.wait_indirect_dma semaphore(%arg8 : memref<!tpu.dma_semaphore, #tpu.memory_space<semaphore_mem>>) src(%dma_wait3A_54 : memref<100000x128xf32, #tpu.memory_space<hbm>>) dst(%dma_wait3A_48 : memref<128x128xf32, #tpu.memory_space<vmem>>)
    %dma_wait3A_55 = arith.constant 0 : i32
    %dma_wait3A_56 = arith.constant 1 : i32
    %dma_wait3A_57 = arith.constant 0 : i32
    %dma_wait3A_58 = arith.constant 0 : i32
    %dma_wait3A_59 = tpu.memref_slice %arg6[%dma_wait3A_56, %dma_wait3A_57, %dma_wait3A_58] : memref<2x128x128xf32, #tpu.memory_space<vmem>> -> memref<1x128x128xf32, #tpu.memory_space<vmem>>
    %dma_wait3A_60 = tpu.memref_squeeze %dma_wait3A_59 : memref<1x128x128xf32, #tpu.memory_space<vmem>> -> memref<128x128xf32, #tpu.memory_space<vmem>>
    %dma_wait3A_61 = arith.constant 0 : i32
    %dma_wait3A_62 = tpu.memref_slice %arg5[%dma_wait3A_55, %dma_wait3A_61] : memref<200x128xi32, #tpu.memory_space<vmem>> -> memref<1x128xi32, #tpu.memory_space<vmem>>
    %dma_wait3A_63 = tpu.memref_squeeze %dma_wait3A_62 : memref<1x128xi32, #tpu.memory_space<vmem>> -> memref<128xi32, #tpu.memory_space<vmem>>
    %dma_wait3A_64 = arith.constant 0 : i32
    %dma_wait3A_65 = arith.constant 0 : i32
    %dma_wait3A_66 = tpu.memref_slice %arg3[%dma_wait3A_64, %dma_wait3A_65] : memref<100000x128xf32, #tpu.memory_space<hbm>> -> memref<100000x128xf32, #tpu.memory_space<hbm>>
    tpu.wait_indirect_dma semaphore(%arg9 : memref<!tpu.dma_semaphore, #tpu.memory_space<semaphore_mem>>) src(%dma_wait3A_66 : memref<100000x128xf32, #tpu.memory_space<hbm>>) dst(%dma_wait3A_60 : memref<128x128xf32, #tpu.memory_space<vmem>>)
    %dma_wait3A_67 = arith.constant 0 : i32
    %dma_wait3A_68 = arith.constant 0 : i32
    %dma_wait3A_69 = arith.constant 0 : i32
    %dma_wait3A_70 = arith.constant 0 : i32
    %dma_wait3A_71 = tpu.memref_slice %arg6[%dma_wait3A_68, %dma_wait3A_69, %dma_wait3A_70] : memref<2x128x128xf32, #tpu.memory_space<vmem>> -> memref<1x128x128xf32, #tpu.memory_space<vmem>>
    %dma_wait3A_72 = tpu.memref_squeeze %dma_wait3A_71 : memref<1x128x128xf32, #tpu.memory_space<vmem>> -> memref<128x128xf32, #tpu.memory_space<vmem>>
    %dma_wait3A_73 = arith.constant 0 : i32
    %dma_wait3A_74 = tpu.memref_slice %arg5[%dma_wait3A_67, %dma_wait3A_73] : memref<200x128xi32, #tpu.memory_space<vmem>> -> memref<1x128xi32, #tpu.memory_space<vmem>>
    %dma_wait3A_75 = tpu.memref_squeeze %dma_wait3A_74 : memref<1x128xi32, #tpu.memory_space<vmem>> -> memref<128xi32, #tpu.memory_space<vmem>>
    %dma_wait3A_76 = arith.constant 0 : i32
    %dma_wait3A_77 = arith.constant 0 : i32
    %dma_wait3A_78 = tpu.memref_slice %arg3[%dma_wait3A_76, %dma_wait3A_77] : memref<100000x128xf32, #tpu.memory_space<hbm>> -> memref<100000x128xf32, #tpu.memory_space<hbm>>
    tpu.wait_indirect_dma semaphore(%arg8 : memref<!tpu.dma_semaphore, #tpu.memory_space<semaphore_mem>>) src(%dma_wait3A_78 : memref<100000x128xf32, #tpu.memory_space<hbm>>) dst(%dma_wait3A_72 : memref<128x128xf32, #tpu.memory_space<vmem>>)
    %dma_wait3A_79 = arith.constant 0 : i32
    %dma_wait3A_80 = arith.constant 1 : i32
    %dma_wait3A_81 = arith.constant 0 : i32
    %dma_wait3A_82 = arith.constant 0 : i32
    %dma_wait3A_83 = tpu.memref_slice %arg6[%dma_wait3A_80, %dma_wait3A_81, %dma_wait3A_82] : memref<2x128x128xf32, #tpu.memory_space<vmem>> -> memref<1x128x128xf32, #tpu.memory_space<vmem>>
    %dma_wait3A_84 = tpu.memref_squeeze %dma_wait3A_83 : memref<1x128x128xf32, #tpu.memory_space<vmem>> -> memref<128x128xf32, #tpu.memory_space<vmem>>
    %dma_wait3A_85 = arith.constant 0 : i32
    %dma_wait3A_86 = tpu.memref_slice %arg5[%dma_wait3A_79, %dma_wait3A_85] : memref<200x128xi32, #tpu.memory_space<vmem>> -> memref<1x128xi32, #tpu.memory_space<vmem>>
    %dma_wait3A_87 = tpu.memref_squeeze %dma_wait3A_86 : memref<1x128xi32, #tpu.memory_space<vmem>> -> memref<128xi32, #tpu.memory_space<vmem>>
    %dma_wait3A_88 = arith.constant 0 : i32
    %dma_wait3A_89 = arith.constant 0 : i32
    %dma_wait3A_90 = tpu.memref_slice %arg3[%dma_wait3A_88, %dma_wait3A_89] : memref<100000x128xf32, #tpu.memory_space<hbm>> -> memref<100000x128xf32, #tpu.memory_space<hbm>>
    tpu.wait_indirect_dma semaphore(%arg9 : memref<!tpu.dma_semaphore, #tpu.memory_space<semaphore_mem>>) src(%dma_wait3A_90 : memref<100000x128xf32, #tpu.memory_space<hbm>>) dst(%dma_wait3A_84 : memref<128x128xf32, #tpu.memory_space<vmem>>)
    %dma_wait3A_91 = arith.constant 0 : i32
    %dma_wait3A_92 = arith.constant 0 : i32
    %dma_wait3A_93 = arith.constant 0 : i32
    %dma_wait3A_94 = arith.constant 0 : i32
    %dma_wait3A_95 = tpu.memref_slice %arg6[%dma_wait3A_92, %dma_wait3A_93, %dma_wait3A_94] : memref<2x128x128xf32, #tpu.memory_space<vmem>> -> memref<1x128x128xf32, #tpu.memory_space<vmem>>
    %dma_wait3A_96 = tpu.memref_squeeze %dma_wait3A_95 : memref<1x128x128xf32, #tpu.memory_space<vmem>> -> memref<128x128xf32, #tpu.memory_space<vmem>>
    %dma_wait3A_97 = arith.constant 0 : i32
    %dma_wait3A_98 = tpu.memref_slice %arg5[%dma_wait3A_91, %dma_wait3A_97] : memref<200x128xi32, #tpu.memory_space<vmem>> -> memref<1x128xi32, #tpu.memory_space<vmem>>
    %dma_wait3A_99 = tpu.memref_squeeze %dma_wait3A_98 : memref<1x128xi32, #tpu.memory_space<vmem>> -> memref<128xi32, #tpu.memory_space<vmem>>
    %dma_wait3A_100 = arith.constant 0 : i32
    %dma_wait3A_101 = arith.constant 0 : i32
    %dma_wait3A_102 = tpu.memref_slice %arg3[%dma_wait3A_100, %dma_wait3A_101] : memref<100000x128xf32, #tpu.memory_space<hbm>> -> memref<100000x128xf32, #tpu.memory_space<hbm>>
    tpu.wait_indirect_dma semaphore(%arg8 : memref<!tpu.dma_semaphore, #tpu.memory_space<semaphore_mem>>) src(%dma_wait3A_102 : memref<100000x128xf32, #tpu.memory_space<hbm>>) dst(%dma_wait3A_96 : memref<128x128xf32, #tpu.memory_space<vmem>>)
    %dma_wait3A_103 = arith.constant 0 : i32
    %dma_wait3A_104 = arith.constant 1 : i32
    %dma_wait3A_105 = arith.constant 0 : i32
    %dma_wait3A_106 = arith.constant 0 : i32
    %dma_wait3A_107 = tpu.memref_slice %arg6[%dma_wait3A_104, %dma_wait3A_105, %dma_wait3A_106] : memref<2x128x128xf32, #tpu.memory_space<vmem>> -> memref<1x128x128xf32, #tpu.memory_space<vmem>>
    %dma_wait3A_108 = tpu.memref_squeeze %dma_wait3A_107 : memref<1x128x128xf32, #tpu.memory_space<vmem>> -> memref<128x128xf32, #tpu.memory_space<vmem>>
    %dma_wait3A_109 = arith.constant 0 : i32
    %dma_wait3A_110 = tpu.memref_slice %arg5[%dma_wait3A_103, %dma_wait3A_109] : memref<200x128xi32, #tpu.memory_space<vmem>> -> memref<1x128xi32, #tpu.memory_space<vmem>>
    %dma_wait3A_111 = tpu.memref_squeeze %dma_wait3A_110 : memref<1x128xi32, #tpu.memory_space<vmem>> -> memref<128xi32, #tpu.memory_space<vmem>>
    %dma_wait3A_112 = arith.constant 0 : i32
    %dma_wait3A_113 = arith.constant 0 : i32
    %dma_wait3A_114 = tpu.memref_slice %arg3[%dma_wait3A_112, %dma_wait3A_113] : memref<100000x128xf32, #tpu.memory_space<hbm>> -> memref<100000x128xf32, #tpu.memory_space<hbm>>
    tpu.wait_indirect_dma semaphore(%arg9 : memref<!tpu.dma_semaphore, #tpu.memory_space<semaphore_mem>>) src(%dma_wait3A_114 : memref<100000x128xf32, #tpu.memory_space<hbm>>) dst(%dma_wait3A_108 : memref<128x128xf32, #tpu.memory_space<vmem>>)
    %run_scoped3A = arith.constant 0 : i32
    %run_scoped3A_115 = arith.constant 0 : i32
    "tpu.region"() ({
      %run_scoped3A_118 = tpu.sem_alloc : memref<!tpu.dma_semaphore, #tpu.memory_space<semaphore_mem>>
      %dma_start3A_119 = arith.constant 0 : i32
      %dma_start3A_120 = arith.constant 0 : i32
      %dma_start3A_121 = tpu.memref_slice %arg6[%run_scoped3A, %dma_start3A_119, %dma_start3A_120] : memref<2x128x128xf32, #tpu.memory_space<vmem>> -> memref<1x128x128xf32, #tpu.memory_space<vmem>>
      %dma_start3A_122 = tpu.memref_squeeze %dma_start3A_121 : memref<1x128x128xf32, #tpu.memory_space<vmem>> -> memref<128x128xf32, #tpu.memory_space<vmem>>
      %dma_start3A_123 = arith.constant 0 : i32
      %dma_start3A_124 = tpu.memref_slice %arg4[%run_scoped3A_115, %mul3A_2, %dma_start3A_123] : memref<2x4096x128xf32, #tpu.memory_space<hbm>> -> memref<1x128x128xf32, #tpu.memory_space<hbm>>
      %dma_start3A_125 = tpu.memref_squeeze %dma_start3A_124 : memref<1x128x128xf32, #tpu.memory_space<hbm>> -> memref<128x128xf32, #tpu.memory_space<hbm>>
      %dma_start3A_126 = arith.constant 0 : i32
      %dma_start3A_127 = tpu.memref_slice %arg4[%run_scoped3A_115, %mul3A_2, %dma_start3A_126] : memref<2x4096x128xf32, #tpu.memory_space<hbm>> -> memref<1x128x128xf32, #tpu.memory_space<hbm>>
      %dma_start3A_128 = tpu.memref_squeeze %dma_start3A_127 : memref<1x128x128xf32, #tpu.memory_space<hbm>> -> memref<128x128xf32, #tpu.memory_space<hbm>>
      %dma_start3A_129 = arith.constant 0 : i32
      %dma_start3A_130 = arith.constant 0 : i32
      %dma_start3A_131 = tpu.memref_slice %arg6[%run_scoped3A, %dma_start3A_129, %dma_start3A_130] : memref<2x128x128xf32, #tpu.memory_space<vmem>> -> memref<1x128x128xf32, #tpu.memory_space<vmem>>
      %dma_start3A_132 = tpu.memref_squeeze %dma_start3A_131 : memref<1x128x128xf32, #tpu.memory_space<vmem>> -> memref<128x128xf32, #tpu.memory_space<vmem>>
      tpu.enqueue_dma source(%dma_start3A_132 : memref<128x128xf32, #tpu.memory_space<vmem>>) target(%dma_start3A_128 : memref<128x128xf32, #tpu.memory_space<hbm>>) target_semaphore(%run_scoped3A_118 : memref<!tpu.dma_semaphore, #tpu.memory_space<semaphore_mem>>)
      %dma_wait3A_133 = arith.constant 0 : i32
      %dma_wait3A_134 = arith.constant 0 : i32
      %dma_wait3A_135 = tpu.memref_slice %arg6[%run_scoped3A, %dma_wait3A_133, %dma_wait3A_134] : memref<2x128x128xf32, #tpu.memory_space<vmem>> -> memref<1x128x128xf32, #tpu.memory_space<vmem>>
      %dma_wait3A_136 = tpu.memref_squeeze %dma_wait3A_135 : memref<1x128x128xf32, #tpu.memory_space<vmem>> -> memref<128x128xf32, #tpu.memory_space<vmem>>
      %dma_wait3A_137 = arith.constant 0 : i32
      %dma_wait3A_138 = tpu.memref_slice %arg4[%run_scoped3A_115, %mul3A_2, %dma_wait3A_137] : memref<2x4096x128xf32, #tpu.memory_space<hbm>> -> memref<1x128x128xf32, #tpu.memory_space<hbm>>
      %dma_wait3A_139 = tpu.memref_squeeze %dma_wait3A_138 : memref<1x128x128xf32, #tpu.memory_space<hbm>> -> memref<128x128xf32, #tpu.memory_space<hbm>>
      %dma_wait3A_140 = arith.constant 0 : i32
      %dma_wait3A_141 = tpu.memref_slice %arg4[%run_scoped3A_115, %mul3A_2, %dma_wait3A_140] : memref<2x4096x128xf32, #tpu.memory_space<hbm>> -> memref<1x128x128xf32, #tpu.memory_space<hbm>>
      %dma_wait3A_142 = tpu.memref_squeeze %dma_wait3A_141 : memref<1x128x128xf32, #tpu.memory_space<hbm>> -> memref<128x128xf32, #tpu.memory_space<hbm>>
      %dma_wait3A_143 = arith.constant 0 : i32
      %dma_wait3A_144 = arith.constant 0 : i32
      %dma_wait3A_145 = tpu.memref_slice %arg6[%run_scoped3A, %dma_wait3A_143, %dma_wait3A_144] : memref<2x128x128xf32, #tpu.memory_space<vmem>> -> memref<1x128x128xf32, #tpu.memory_space<vmem>>
      %dma_wait3A_146 = tpu.memref_squeeze %dma_wait3A_145 : memref<1x128x128xf32, #tpu.memory_space<vmem>> -> memref<128x128xf32, #tpu.memory_space<vmem>>
      tpu.wait_dma2 semaphore(%run_scoped3A_118 : memref<!tpu.dma_semaphore, #tpu.memory_space<semaphore_mem>>) src(%dma_wait3A_146 : memref<128x128xf32, #tpu.memory_space<vmem>>) dst(%dma_wait3A_142 : memref<128x128xf32, #tpu.memory_space<hbm>>)
      tpu.yield
    }) : () -> ()
    %run_scoped3A_116 = arith.constant 1 : i32
    %run_scoped3A_117 = arith.constant 1 : i32
    "tpu.region"() ({
      %run_scoped3A_118 = tpu.sem_alloc : memref<!tpu.dma_semaphore, #tpu.memory_space<semaphore_mem>>
      %dma_start3A_119 = arith.constant 0 : i32
      %dma_start3A_120 = arith.constant 0 : i32
      %dma_start3A_121 = tpu.memref_slice %arg6[%run_scoped3A_116, %dma_start3A_119, %dma_start3A_120] : memref<2x128x128xf32, #tpu.memory_space<vmem>> -> memref<1x128x128xf32, #tpu.memory_space<vmem>>
      %dma_start3A_122 = tpu.memref_squeeze %dma_start3A_121 : memref<1x128x128xf32, #tpu.memory_space<vmem>> -> memref<128x128xf32, #tpu.memory_space<vmem>>
      %dma_start3A_123 = arith.constant 0 : i32
      %dma_start3A_124 = tpu.memref_slice %arg4[%run_scoped3A_117, %mul3A_2, %dma_start3A_123] : memref<2x4096x128xf32, #tpu.memory_space<hbm>> -> memref<1x128x128xf32, #tpu.memory_space<hbm>>
      %dma_start3A_125 = tpu.memref_squeeze %dma_start3A_124 : memref<1x128x128xf32, #tpu.memory_space<hbm>> -> memref<128x128xf32, #tpu.memory_space<hbm>>
      %dma_start3A_126 = arith.constant 0 : i32
      %dma_start3A_127 = tpu.memref_slice %arg4[%run_scoped3A_117, %mul3A_2, %dma_start3A_126] : memref<2x4096x128xf32, #tpu.memory_space<hbm>> -> memref<1x128x128xf32, #tpu.memory_space<hbm>>
      %dma_start3A_128 = tpu.memref_squeeze %dma_start3A_127 : memref<1x128x128xf32, #tpu.memory_space<hbm>> -> memref<128x128xf32, #tpu.memory_space<hbm>>
      %dma_start3A_129 = arith.constant 0 : i32
      %dma_start3A_130 = arith.constant 0 : i32
      %dma_start3A_131 = tpu.memref_slice %arg6[%run_scoped3A_116, %dma_start3A_129, %dma_start3A_130] : memref<2x128x128xf32, #tpu.memory_space<vmem>> -> memref<1x128x128xf32, #tpu.memory_space<vmem>>
      %dma_start3A_132 = tpu.memref_squeeze %dma_start3A_131 : memref<1x128x128xf32, #tpu.memory_space<vmem>> -> memref<128x128xf32, #tpu.memory_space<vmem>>
      tpu.enqueue_dma source(%dma_start3A_132 : memref<128x128xf32, #tpu.memory_space<vmem>>) target(%dma_start3A_128 : memref<128x128xf32, #tpu.memory_space<hbm>>) target_semaphore(%run_scoped3A_118 : memref<!tpu.dma_semaphore, #tpu.memory_space<semaphore_mem>>)
      %dma_wait3A_133 = arith.constant 0 : i32
      %dma_wait3A_134 = arith.constant 0 : i32
      %dma_wait3A_135 = tpu.memref_slice %arg6[%run_scoped3A_116, %dma_wait3A_133, %dma_wait3A_134] : memref<2x128x128xf32, #tpu.memory_space<vmem>> -> memref<1x128x128xf32, #tpu.memory_space<vmem>>
      %dma_wait3A_136 = tpu.memref_squeeze %dma_wait3A_135 : memref<1x128x128xf32, #tpu.memory_space<vmem>> -> memref<128x128xf32, #tpu.memory_space<vmem>>
      %dma_wait3A_137 = arith.constant 0 : i32
      %dma_wait3A_138 = tpu.memref_slice %arg4[%run_scoped3A_117, %mul3A_2, %dma_wait3A_137] : memref<2x4096x128xf32, #tpu.memory_space<hbm>> -> memref<1x128x128xf32, #tpu.memory_space<hbm>>
      %dma_wait3A_139 = tpu.memref_squeeze %dma_wait3A_138 : memref<1x128x128xf32, #tpu.memory_space<hbm>> -> memref<128x128xf32, #tpu.memory_space<hbm>>
      %dma_wait3A_140 = arith.constant 0 : i32
      %dma_wait3A_141 = tpu.memref_slice %arg4[%run_scoped3A_117, %mul3A_2, %dma_wait3A_140] : memref<2x4096x128xf32, #tpu.memory_space<hbm>> -> memref<1x128x128xf32, #tpu.memory_space<hbm>>
      %dma_wait3A_142 = tpu.memref_squeeze %dma_wait3A_141 : memref<1x128x128xf32, #tpu.memory_space<hbm>> -> memref<128x128xf32, #tpu.memory_space<hbm>>
      %dma_wait3A_143 = arith.constant 0 : i32
      %dma_wait3A_144 = arith.constant 0 : i32
      %dma_wait3A_145 = tpu.memref_slice %arg6[%run_scoped3A_116, %dma_wait3A_143, %dma_wait3A_144] : memref<2x128x128xf32, #tpu.memory_space<vmem>> -> memref<1x128x128xf32, #tpu.memory_space<vmem>>
      %dma_wait3A_146 = tpu.memref_squeeze %dma_wait3A_145 : memref<1x128x128xf32, #tpu.memory_space<vmem>> -> memref<128x128xf32, #tpu.memory_space<vmem>>
      tpu.wait_dma2 semaphore(%run_scoped3A_118 : memref<!tpu.dma_semaphore, #tpu.memory_space<semaphore_mem>>) src(%dma_wait3A_146 : memref<128x128xf32, #tpu.memory_space<vmem>>) dst(%dma_wait3A_142 : memref<128x128xf32, #tpu.memory_space<hbm>>)
      tpu.yield
    }) : () -> ()
    return
  }
}

</mosaic_0001>

<sc_bundles>
// kernel: _sc_pool.3.cloned.1.call-start
scs
__scs_entry_jumppad:
0x0: {  	(pc) =	sbr.rel $0x88, $3  }
0x1: {  	(tag) =	ssettag $0x0;
	lr =	simm.s32 $0x1  }
0x2: {  	[smem:$0x3F9F] =	sst lr;
	_ =	strace $0xD0000000  }
0x3: {  	_ = 	snop  }
0x4: {  	_ = 	snop  }
0x5: {  	_ = 	snop  }
0x6: {  	_ = 	snop  }
0x7: {  	_ = 	snop  }
__scs_overlays_trampoline_lowered:
0x8: {  	[smem:$0x3FAE] =	sst s0  }
0x9: {  	[smem:$0x3FAF] =	sst s1  }
0xa: {  	[smem:$0x3FB0] =	sst s2  }
0xb: {  	[smem:$0x3FB1] =	sst s3  }
0xc: {  	[smem:$0x3FB2] =	sst s4  }
0xd: {  	[smem:$0x3FB3] =	sst s5  }
0xe: {  	[smem:$0x3FB4] =	sst s6  }
0xf: {  	[smem:$0x3FB5] =	sst s7  }
0x10: {  	[smem:$0x3FB6] =	sst s8  }
0x11: {  	[smem:$0x3FB7] =	sst s9;
	s0 =	simm.s32 @!p0 $0x0  }
0x12: {  	s1 =	sld [smem:$0x3F9D];
	s0 =	simm.s32 @p0 $0x1  }
0x13: {  	[smem:$0x3FB8] =	sst s0;
	s0 =	simm.s32 @!p1 $0x0  }
0x14: {  	s2 =	sld [smem:$0x3F9C];
	s0 =	simm.s32 @p1 $0x1  }
0x15: {  	[smem:$0x3FB9] =	sst s0;
	s0 =	simm.s32 @!p2 $0x0  }
0x16: {  	s3 =	sld [smem:$0x3FDB];
	s0 =	simm.s32 @p2 $0x1  }
0x17: {  	s4 =	simm.s32 $0x1BF5;
	[smem:$0x3FBB] =	sst s0  }
0x18: {  	s0 =	sld [smem:$0x3F9E];
	_ =	swait.ge [sflag:s4], $0x0  }
0x19: {  	s7 =	sld [smem:$0x3F9F]  }
0x1a: {  	s8 =	sadd.s32 $0xFFFFE003, lr  }
0x1b: {  	s9 =	sadd.s32 $0xFFFFFEF7, lr;
	s5 =	simm.s32 $0xFFFFFFFF;
	p2 =	slt.u32 s8, $0xFFFFF086  }
0x1c: {  	p1 =	slt.u32 s9, $0xF7A;
	s5 =	simm.s32 @!p2 $0x0  }
0x1d: {  	s5 =	simm.s32 @p1 $0x1;
	p0 =	seq.s32 s7, s2  }
0x1e: {  	s7 =	smul.u32 @!p0 $0xF7A, s2;
	p2 =	seq.s32 @!p0 s5, $0x0  }
0x1f: {  	s9 =	smul.u32 $0xF7A, s1;
	s8 =	simm.s32 @!p0 $0x1BF5;
	p2 =	por !p2, p0  }
0x20: {  	[sflag:s8] =	ssyncset.s32 @!p0 $0xFFFFF086;
	s6 =	sadd.s32 @!p0 s3, s7;
	s7 =	simm.s32 @!p0 $0x108  }
0x21: {  	s3 =	sadd.s32 s3, s9;
	s6 =	sadd.s32 @!p0 $0x88, s6;
	s7 =	simm.s32 @p2 $0x1082  }
0x22: {  	[simem:s7], [sflag:s8] =	dma.local @!p0 [hbm:s6], $0xF7A  }
0x23: {  	s9 =	sor.u32 $0xD0000000, s2;
	s6 =	simm.s32 $0x108;
	_ =	swait.ge @!p0 [sflag:s8], $0x0  }
0x24: {  	s3 =	sadd.s32 $0x88, s3;
	s6 =	simm.s32 @!p1 $0x1082;
	[sflag:s4] =	ssyncset.s32 $0xFFFFF086  }
0x25: {  	[simem:s6], [sflag:s4] =	dma.local [hbm:s3], $0xF7A  }
0x26: {  	[smem:$0x3F9F] =	sst s1;
	(tag) =	ssettag s2;
	_ =	strace s9  }
0x27: {  	s1 =	sld [smem:$0x3FAF]  }
0x28: {  	s2 =	sld [smem:$0x3FB0]  }
0x29: {  	s4 =	sld [smem:$0x3FB2]  }
0x2a: {  	p0 =	seq.s32 s5, $0x0;
	s5 =	sld [smem:$0x3FB3]  }
0x2b: {  	s6 =	sld [smem:$0x3FB4]  }
0x2c: {  	s7 =	sld [smem:$0x3FB5]  }
0x2d: {  	s3 =	simm.s32 $0x108;
	s8 =	sld [smem:$0x3FB6]  }
0x2e: {  	s3 =	simm.s32 @!p0 $0x1082;
	s9 =	sld [smem:$0x3FB7]  }
0x2f: {  	lr =	sadd.s32 s0, s3;
	s0 =	sld [smem:$0x3FAE]  }
0x30: {  	s3 =	sld [smem:$0x3FB1]  }
0x31: {  	[smem:$0x3FBA] =	sst s10  }
0x32: {  	s10 =	sld [smem:$0x3FB8];
	_ =	sdelay $0x3  }
0x33: {  	p0 =	seq.s32 s10, $0x1;
	s10 =	sld [smem:$0x3FBA];
	_ =	sdelay $0x3  }
0x34: {  	[smem:$0x3FBA] =	sst s10  }
0x35: {  	s10 =	sld [smem:$0x3FB9];
	_ =	sdelay $0x3  }
0x36: {  	p1 =	seq.s32 s10, $0x1;
	s10 =	sld [smem:$0x3FBA];
	_ =	sdelay $0x3  }
0x37: {  	[smem:$0x3FBA] =	sst s10  }
0x38: {  	s10 =	sld [smem:$0x3FBB]  }
0x39: {  	_ = 	snop;
	(pc) =	sbr.ind lr, $3  }
0x3a: {  	_ = 	snop  }
0x3b: {  	_ = 	snop  }
0x3c: {  	p2 =	seq.s32 s10, $0x1;
	s10 =	sld [smem:$0x3FBA]  }
0x3d: {  	_ =	shalt  }
0x3e: {  	_ =	shalt  }
0x3f: {  	_ =	shalt  }
0x40: {  	_ =	shalt  }
0x41: {  	_ =	shalt  }
0x42: {  	_ =	shalt  }
0x43: {  	_ =	shalt  }
0x44: {  	_ =	shalt  }
0x45: {  	_ =	shalt  }
0x46: {  	_ =	shalt  }
0x47: {  	_ =	shalt  }
0x48: {  	_ =	shalt  }
0x49: {  	_ =	shalt  }
0x4a: {  	_ =	shalt  }
0x4b: {  	_ =	shalt  }
0x4c: {  	_ =	shalt  }
0x4d: {  	_ =	shalt  }
0x4e: {  	_ =	shalt  }
0x4f: {  	_ =	shalt  }
0x50: {  	_ =	shalt  }
0x51: {  	_ =	shalt  }
0x52: {  	_ =	shalt  }
0x53: {  	_ =	shalt  }
0x54: {  	_ =	shalt  }
0x55: {  	_ =	shalt  }
0x56: {  	_ =	shalt  }
0x57: {  	_ =	shalt  }
0x58: {  	_ =	shalt  }
0x59: {  	_ =	shalt  }
0x5a: {  	_ =	shalt  }
0x5b: {  	_ =	shalt  }
0x5c: {  	_ =	shalt  }
0x5d: {  	_ =	shalt  }
0x5e: {  	_ =	shalt  }
0x5f: {  	_ =	shalt  }
0x60: {  	_ =	shalt  }
0x61: {  	_ =	shalt  }
0x62: {  	_ =	shalt  }
0x63: {  	_ =	shalt  }
0x64: {  	_ =	shalt  }
0x65: {  	_ =	shalt  }
0x66: {  	_ =	shalt  }
0x67: {  	_ =	shalt  }
0x68: {  	_ =	shalt  }
0x69: {  	_ =	shalt  }
0x6a: {  	_ =	shalt  }
0x6b: {  	_ =	shalt  }
0x6c: {  	_ =	shalt  }
0x6d: {  	_ =	shalt  }
0x6e: {  	_ =	shalt  }
0x6f: {  	_ =	shalt  }
0x70: {  	_ =	shalt  }
0x71: {  	_ =	shalt  }
0x72: {  	_ =	shalt  }
0x73: {  	_ =	shalt  }
0x74: {  	_ =	shalt  }
0x75: {  	_ =	shalt  }
0x76: {  	_ =	shalt  }
0x77: {  	_ =	shalt  }
0x78: {  	_ =	shalt  }
0x79: {  	_ =	shalt  }
0x7a: {  	_ =	shalt  }
0x7b: {  	_ =	shalt  }
0x7c: {  	_ =	shalt  }
0x7d: {  	_ =	shalt  }
0x7e: {  	_ =	shalt  }
0x7f: {  	_ =	shalt  }
0x80: {  	_ =	shalt  }
0x81: {  	_ =	shalt  }
0x82: {  	_ =	shalt  }
0x83: {  	_ =	shalt  }
0x84: {  	_ =	shalt  }
0x85: {  	_ =	shalt  }
0x86: {  	_ =	shalt  }
0x87: {  	_ =	shalt  }
.Lfunc_end0:
.L_simem_size_0:
called_computation_lowered:
.L_overlay_start_0:
0x88: {  	s2 =	sld [smem:$0x3FD9]  }
0x89: {  	s3 =	sld [smem:$0x3FFE];
	_ =	sdelay $0x1  }
0x8a: {  	s1 =	srdreg.scid  }
0x8b: {  	s0 =	sand.u32 $0x1, s1  }
0x8c: {  	s18 =	sshll.u32 s0, $0xA;
	s2 =	sadd.s32 s3, s2  }
0x8d: {  	s2 =	sadd.s32 s2, s18  }
0x8e: {  	[smem:$0x3FC6] =	sst s2  }
0x8f: {  	_ = 	snop  }
0x90: {  	s2 =	sld [smem:$0x3FC9]  }
0x91: {  	s19 =	sld [smem:$0x3FC8]  }
0x92: {  	s4 =	sld [smem:$0x3FD0];
	(tm) =	ssettm $0x1  }
0x93: {  	s5 =	sld [smem:$0x3FFB];
	_ =	sdelay $0x3  }
0x94: {  	_ =	strace s5  }
0x95: {  	s5 =	sld [smem:$0x3FFC];
	_ =	sdelay $0x3  }
0x96: {  	_ =	strace s5  }
0x97: {  	s5 =	sld [smem:$0x3FFD];
	_ =	sdelay $0x3  }
0x98: {  	_ =	strace s5  }
0x99: {  	_ =	strace $0x8FFFFFFF  }
0x9a: {  	s20 =	sld [smem:$0x3FDB];
	_ =	sdelay $0x1  }
0x9b: {  	s6 =	simm.s32 $_scs_section_size  }
0x9c: {  	s7 =	simm.s32 $_size__tile_overlayer_lowered;
	s8 =	simm.s32 $_tile_overlayer_lowered  }
0x9d: {  	s23 =	simm.s32 $0x1BFF;
	s22 =	sshll.u32 s8, $0x1;
	s5 =	sadd.s32 s6, s20  }
0x9e: {  	s9 =	simm.s32 $0x0;
	s21 =	sshll.u32 s7, $0x1;
	s7 =	sadd.s32 s22, s5  }
0x9f: {  	[timem:s9], [sflag:s23] =	dma.local [hbm:s7], s21  }
0xa0: {  	_ =	swait.ge [sflag:s23], s21  }
0xa1: {  	s6 =	ssub.s32 $0x0, s21;
	[sflag:s23] =	ssyncset.done $0x0  }
0xa2: {  	[sflag:s23] =	ssyncadd.s32 s6;
	_ =	sdelay $0x1  }
0xa3: {  	s24 =	simm.s32 $0x1B8B  }
0xa4: {  	_ =	swait.ge [sflag:s24], $0x1  }
0xa5: {  	[sflag:s24] =	ssyncset.done $0x0  }
0xa6: {  	s25 =	simm.s32 $0x1B8E;
	[sflag:s24] =	ssyncadd.s32 $0xFFFFFFFF  }
0xa7: {  	s26 =	simm.s32 $execute0_lowered;
	[smem:$0x3FD2] =	sst s25  }
0xa8: {  	s6 =	sshll.u32 s26, $0x1;
	_ =	strace $0x80000046;
	[dreg:$0x1] =	wrdreg $0xFFFFFFFF  }
0xa9: {  	s28 =	simm.s32 $_size_execute0_lowered;
	s5 =	sadd.s32 s5, s6;
	[dreg:$0x0] =	wrdreg $0x0  }
0xaa: {  	s6 =	sshll.u32 s28, $0x1;
	[dreg:$0x2] =	wrdreg s5  }
0xab: {  	[dreg:$0x3] =	wrdreg s6  }
0xac: {  	[dreg:$0x4] =	wrdreg $0xC0  }
0xad: {  	_ =	task [dreg:s9], $0x5FFFF  }
0xae: {  	[dreg:$0x1] =	wrdreg $0xFFFFFFFF  }
0xaf: {  	[dreg:$0x0] =	wrdreg $0x60  }
0xb0: {  	[dreg:$0x2] =	wrdreg s2  }
0xb1: {  	[dreg:$0x3] =	wrdreg s19  }
0xb2: {  	[dreg:$0x4] =	wrdreg s4  }
0xb3: {  	[dreg:$0x5] =	wrdreg $0x9  }
0xb4: {  	_ =	task.clear_ibuf [dreg:s9], $0x6FFFF;
	_ =	strace $0x90000046  }
0xb5: {  	s29 =	simm.s32 $0x9;
	_ =	strace $0x80000048  }
0xb6: {  	_ =	swait.ge [sflag:s29], $0x1  }
0xb7: {  	[sflag:s29] =	ssyncadd.s32 $0xFFFFFFFF  }
0xb8: {  	_ =	strace $0x90000048  }
0xb9: {  	_ =	sfence  }
0xba: {  	s30 =	sld [smem:$0x0];
	_ =	sdelay $0x2  }
0xbb: {  	s31 =	sshll.u32 s1, $0xD;
	s1 =	sshrl.u32 s1, $0x2  }
0xbc: {  	s3 =	sand.u32 $0x4000, s31;
	s1 =	sadd.s32 s1, s30  }
0xbd: {  	s0 =	sor.u32 s3, s0;
	s1 =	sshll.u32 s1, $0x11  }
0xbe: {  	s0 =	sor.u32 s1, s0  }
0xbf: {  	s0 =	sadd.s32 $0x8F2B, s0  }
0xc0: {  	[sflag:s0] =	ssyncadd.remote.s32 $0x1  }
0xc1: {  	_ =	sfence.sel $0xFFFF  }
0xc2: {  	[dreg:$0x0] =	wrdreg $0xFFFFFFFF;
	(pc) =	sbr.abs _section_cstart, $3  }
0xc3: {  	[dreg:$0x1] =	wrdreg $0xFFFFFFFF  }
0xc4: {  	_ =	task.clear_ibuf [dreg:s9], $0x2FFFF;
	_ =	strace $0x9FFFFFFF  }
0xc5: {  	(tm) =	ssettm $0x7FFFFFFF  }
tec
execute0_lowered:
.L_overlay_start_1:
0x0: {  	(tag) =	ssettag $0x1  }
0x1: {  	s4 =	rddreg [dreg:$0x0]  }
0x2: {  	s2 =	rddreg [dreg:$0x1]  }
0x3: {  	s5 =	rddreg [dreg:$0x2];
	s3 =	srdreg.scid  }
0x4: {  	s0 =	rddreg [dreg:$0x3];
	s1 =	stileid.u32;
	s10 =	simm.s32 $0x1  }
0x5: {  	s11 =	simm.s32 $0x80;
	s12 =	simm.s32 $0x6400;
	s13 =	simm.s32 $0xA400  }
0x6: {  	s14 =	simm.s32 $0x100;
	s15 =	simm.s32 $0x180;
	s16 =	simm.s32 $0x200  }
0x7: {  	s17 =	simm.s32 $0x280;
	s18 =	simm.s32 $0x300;
	s19 =	simm.s32 $0x380  }
0x8: {  	s20 =	simm.s32 $0x2;
	s21 =	simm.s32 $0x3;
	s22 =	simm.s32 $0x4  }
0x9: {  	s23 =	simm.s32 $0x0;
	s6 =	sand.u32 $0x1, s3;
	s3 =	simm.s32 $0x0  }
0xa: {  	s7 =	sshll.u32 s1, $0x8;
	s8 =	sshll.u32 s6, $0x7;
	s6 =	ssub.s32 $0x2, s6  }
0xb: {  	[smem:$0x7FF] =	sst s3;
	s7 =	sor.u32 s8, s7;
	s31 =	sshrl.u32 s6, $0x1  }
0xc: {  	_ =	strace $0x80000047;
	s9 =	sshll.u32 s7, $0x4;
	s8 =	ssub.s32 s6, s31  }
0xd: {  	s4 =	sadd.s32 s4, s7;
	s5 =	sadd.s32 s5, s9;
	s7 =	smax.u32 s8, $0x1  }
0xe: {  	v0 =	vimm.f32 $0.0e+00;
	s8 =	simm.s32 $0x400;
	s9 =	simm.s32 $0x8000;
	s6 =	sadd.s32 $0x10000, s5  }
.LBB2_1:
0xf: {  	[tilespmem:s3], [sflag:$0x1] =	stream.strided.gather [hbm4b:s4+s8], $0x6400, s9, s8, $0x38;
	[tilespmem:$0xE400] =	vst v63  }
0x10: {  	s24 =	simm.s32 $0x0;
	s25 =	simm.s32 $0x200  }
.LBB2_2:
0x11: {  	p0 =	sne.s32 s25, $0x1FE00;
	[tilespmem:s24+$0x6470] =	vst v0  }
0x12: {  	[tilespmem:s24+$0x6400] =	vst v0  }
0x13: {  	[tilespmem:s24+$0x6410] =	vst v0  }
.Ltmp0:
0x14: {  	[tilespmem:s24+$0x6420] =	vst v0;
	(pc) =	sbr.rel @p0 .LBB2_2-.Ltmp0, $4  }
0x15: {  	[tilespmem:s24+$0x6430] =	vst v0  }
0x16: {  	[tilespmem:s24+$0x6440] =	vst v0  }
0x17: {  	[tilespmem:s24+$0x6450] =	vst v0  }
0x18: {  	[tilespmem:s24+$0x6460] =	vst v0;
	s24 =	sshra.s32 s25, $0x2;
	s25 =	sadd.s32 $0x200, s25  }
0x19: {  	[tilespmem:s24+$0x6470] =	vst v0  }
0x1a: {  	[tilespmem:s24+$0x6400] =	vst v0  }
0x1b: {  	[tilespmem:s24+$0x6410] =	vst v0  }
0x1c: {  	[tilespmem:s24+$0x6420] =	vst v0  }
0x1d: {  	[tilespmem:s24+$0x6430] =	vst v0  }
0x1e: {  	[tilespmem:s24+$0x6440] =	vst v0  }
0x1f: {  	[tilespmem:s24+$0x6450] =	vst v0  }
0x20: {  	[tilespmem:s24+$0x6460] =	vst v0  }
0x21: {  	_ =	swait.ge [sflag:s10], $0x6400  }
0x22: {  	[sflag:s10] =	ssyncset.done $0x0  }
0x23: {  	[sflag:s10] =	ssyncadd.s32 $0xFFFF9C00  }
0x24: {  	[tilespmem:s12], [sflag:$0x2] =	stream.indirect.gather.add.f32 [hbm:s2], $0x80, s3, s11, $0xb8;
	[tilespmem:$0xE400] =	vst v63  }
0x25: {  	_ = 	snop  }
0x26: {  	[tilespmem:s13], [sflag:$0x3] =	stream.indirect.gather.add.f32 [hbm:s2], $0x80, s11, s11, $0xb8;
	[tilespmem:$0xE400] =	vst v63  }
0x27: {  	_ = 	snop  }
0x28: {  	[tilespmem:s12], [sflag:$0x2] =	stream.indirect.gather.add.f32 [hbm:s2], $0x80, s14, s11, $0xb8;
	[tilespmem:$0xE400] =	vst v63  }
0x29: {  	_ = 	snop  }
0x2a: {  	[tilespmem:s13], [sflag:$0x3] =	stream.indirect.gather.add.f32 [hbm:s2], $0x80, s15, s11, $0xb8;
	[tilespmem:$0xE400] =	vst v63  }
0x2b: {  	_ = 	snop  }
0x2c: {  	[tilespmem:s12], [sflag:$0x2] =	stream.indirect.gather.add.f32 [hbm:s2], $0x80, s16, s11, $0xb8;
	[tilespmem:$0xE400] =	vst v63  }
0x2d: {  	_ = 	snop  }
0x2e: {  	[tilespmem:s13], [sflag:$0x3] =	stream.indirect.gather.add.f32 [hbm:s2], $0x80, s17, s11, $0xb8;
	[tilespmem:$0xE400] =	vst v63  }
0x2f: {  	_ = 	snop  }
0x30: {  	[tilespmem:s12], [sflag:$0x2] =	stream.indirect.gather.add.f32 [hbm:s2], $0x80, s18, s11, $0xb8;
	[tilespmem:$0xE400] =	vst v63  }
0x31: {  	_ = 	snop  }
0x32: {  	[tilespmem:s13], [sflag:$0x3] =	stream.indirect.gather.add.f32 [hbm:s2], $0x80, s19, s11, $0xb8;
	[tilespmem:$0xE400] =	vst v63  }
0x33: {  	s30 =	simm.s32 $0x400  }
0x34: {  	[tilespmem:s12], [sflag:$0x2] =	stream.indirect.gather.add.f32 [hbm:s2], $0x80, s30, s11, $0xb8;
	[tilespmem:$0xE400] =	vst v63  }
0x35: {  	s31 =	simm.s32 $0x480  }
0x36: {  	[tilespmem:s13], [sflag:$0x3] =	stream.indirect.gather.add.f32 [hbm:s2], $0x80, s31, s11, $0xb8;
	[tilespmem:$0xE400] =	vst v63  }
0x37: {  	_ =	swait.ge [sflag:s20], $0x4000  }
0x38: {  	[sflag:s20] =	ssyncset.done $0x0  }
0x39: {  	[sflag:s20] =	ssyncadd.s32 $0xFFFFC000  }
0x3a: {  	_ =	swait.ge [sflag:s21], $0x4000  }
0x3b: {  	s25 =	simm.s32 $0xFFFE8800;
	s24 =	simm.s32 $0xFFFFA100;
	[sflag:s21] =	ssyncset.done $0x0  }
.LBB2_4:
0x3c: {  	s26 =	sadd.s32 $0x6400, s24  }
0x3d: {  	[sflag:s21] =	ssyncadd.s32 $0xFFFFC000;
	s28 =	smov.u32 s25;
	s29 =	sadd.s32 $0x400, s25  }
0x3e: {  	[tilespmem:s12], [sflag:$0x2] =	stream.indirect.gather.add.f32 [hbm:s2], $0x80, s26, s11, $0xb8;
	[tilespmem:$0xE400] =	vst v63  }
0x3f: {  	p0 =	sne.s32 s25, $0xFFFFFC00;
	s24 =	sadd.s32 $0x6480, s24  }
0x40: {  	[tilespmem:s13], [sflag:$0x3] =	stream.indirect.gather.add.f32 [hbm:s2], $0x80, s24, s11, $0xb8;
	[tilespmem:$0xE400] =	vst v63  }
.Ltmp1:
0x41: {  	_ =	swait.ge [sflag:s20], $0x4000;
	(pc) =	sbr.rel @p0 .LBB2_4-.Ltmp1, $4  }
0x42: {  	[sflag:s20] =	ssyncset.done $0x0  }
0x43: {  	[sflag:s20] =	ssyncadd.s32 $0xFFFFC000  }
0x44: {  	_ =	swait.ge [sflag:s21], $0x4000  }
0x45: {  	s25 =	smov.u32 s29;
	s24 =	sshra.s32 s28, $0x2;
	[sflag:s21] =	ssyncset.done $0x0  }
0x46: {  	s25 =	sadd.s32 $0x6400, s24;
	[sflag:s21] =	ssyncadd.s32 $0xFFFFC000  }
0x47: {  	[tilespmem:s12], [sflag:$0x2] =	stream.indirect.gather.add.f32 [hbm:s2], $0x80, s25, s11, $0xb8;
	[tilespmem:$0xE400] =	vst v63  }
0x48: {  	s31 =	sadd.s32 $0x6480, s24  }
0x49: {  	[tilespmem:s13], [sflag:$0x3] =	stream.indirect.gather.add.f32 [hbm:s2], $0x80, s31, s11, $0xb8;
	[tilespmem:$0xE400] =	vst v63  }
0x4a: {  	_ =	swait.ge [sflag:s20], $0x4000  }
0x4b: {  	[sflag:s20] =	ssyncset.done $0x0  }
0x4c: {  	[sflag:s20] =	ssyncadd.s32 $0xFFFFC000  }
0x4d: {  	_ =	swait.ge [sflag:s21], $0x4000  }
0x4e: {  	[sflag:s21] =	ssyncset.done $0x0  }
0x4f: {  	[sflag:s21] =	ssyncadd.s32 $0xFFFFC000  }
0x50: {  	_ =	swait.ge [sflag:s20], $0x4000  }
0x51: {  	[sflag:s20] =	ssyncset.done $0x0  }
0x52: {  	[sflag:s20] =	ssyncadd.s32 $0xFFFFC000  }
0x53: {  	_ =	swait.ge [sflag:s21], $0x4000  }
0x54: {  	[sflag:s21] =	ssyncset.done $0x0  }
0x55: {  	[sflag:s21] =	ssyncadd.s32 $0xFFFFC000  }
0x56: {  	_ =	swait.ge [sflag:s20], $0x4000  }
0x57: {  	[sflag:s20] =	ssyncset.done $0x0  }
0x58: {  	[sflag:s20] =	ssyncadd.s32 $0xFFFFC000  }
0x59: {  	_ =	swait.ge [sflag:s21], $0x4000  }
0x5a: {  	[sflag:s21] =	ssyncset.done $0x0  }
0x5b: {  	[sflag:s21] =	ssyncadd.s32 $0xFFFFC000  }
0x5c: {  	_ =	swait.ge [sflag:s20], $0x4000  }
0x5d: {  	[sflag:s20] =	ssyncset.done $0x0  }
0x5e: {  	[sflag:s20] =	ssyncadd.s32 $0xFFFFC000  }
0x5f: {  	_ =	swait.ge [sflag:s21], $0x4000  }
0x60: {  	[sflag:s21] =	ssyncset.done $0x0  }
0x61: {  	[sflag:s21] =	ssyncadd.s32 $0xFFFFC000  }
0x62: {  	_ =	swait.ge [sflag:s20], $0x4000  }
0x63: {  	[sflag:s20] =	ssyncset.done $0x0  }
0x64: {  	[sflag:s20] =	ssyncadd.s32 $0xFFFFC000  }
0x65: {  	_ =	swait.ge [sflag:s21], $0x4000  }
0x66: {  	[sflag:s21] =	ssyncset.done $0x0  }
0x67: {  	[sflag:s21] =	ssyncadd.s32 $0xFFFFC000  }
0x68: {  	[hbm4b:s5+s3] =	stream.linear.scatter [tilespmem:s12], [sflag:$0x4], $0x4000, $0x38;
	[tilespmem:$0xE400] =	vst v63  }
0x69: {  	s23 =	sadd.s32 $0x1, s23;
	_ =	swait.ge [sflag:s22], $0x4000  }
0x6a: {  	p0 =	sne.s32 s23, s7;
	[sflag:s22] =	ssyncset.done $0x0  }
.Ltmp2:
0x6b: {  	[sflag:s22] =	ssyncadd.s32 $0xFFFFC000;
	(pc) =	sbr.rel @p0 .LBB2_1-.Ltmp2, $4  }
0x6c: {  	[hbm4b:s6+s3] =	stream.linear.scatter [tilespmem:s13], [sflag:$0x4], $0x4000, $0x38;
	[tilespmem:$0xE400] =	vst v63  }
0x6d: {  	_ =	swait.ge [sflag:s22], $0x4000  }
0x6e: {  	[sflag:s22] =	ssyncset.done $0x0  }
0x6f: {  	[sflag:s22] =	ssyncadd.s32 $0xFFFFC000  }
0x70: {  	_ =	sfence.sel $0x180000  }
0x71: {  	[bflag:$0x0] =	sbarrier.arrive $0xFFFF  }
0x72: {  	p0 =	sne.s32 s1, $0x0;
	_ =	strace $0x90000047  }
0x73: {  	s0 =	sadd.s32 @!p0 $0x100000, s0;
	[bflag:$0x2] =	sbarrier.arrive $0xFFFF  }
0x74: {  	[sflag:s0] =	ssyncadd.tile.s32 @!p0 $0x1;
	_ =	shalt  }
.Lfunc_end2:
_tile_overlayer_lowered:
.L_overlay_start_2:
0x75: {  	(tag) =	ssettag $0x2  }
0x76: {  	s0 =	rddreg [dreg:$0x0];
	s2 =	stileid.u32  }
0x77: {  	s1 =	rddreg [dreg:$0x1];
	p0 =	sne.s32 s2, $0x0  }
0x78: {  	s3 =	rddreg [dreg:$0x2];
	[bflag:$0x3] =	sbarrier.arrive $0xFFFF;
	s2 =	simm.s32 @!p0 $0x1C04  }
0x79: {  	[timem:s3], [sflag:s2] =	dma.local @!p0 [hbm:s0], s1  }
0x7a: {  	s0 =	simm.s32 @!p0 $0x4  }
0x7b: {  	_ =	swait.ge @!p0 [sflag:s0], s1  }
0x7c: {  	s1 =	ssub.s32 @!p0 $0x0, s1;
	[sflag:s0] =	ssyncset.done @!p0 $0x0  }
0x7d: {  	[sflag:s0] =	ssyncadd.s32 @!p0 s1  }
0x7e: {  	[bflag:$0x3] =	sbarrier.arrive $0xFFFF  }
0x7f: {  	_ =	shalt  }

</sc_bundles>
